<compile_context>
chip_gen: v7x
topology: tpu7x:2x2x1
jax: 0.10.2.dev20260603
libtpu: 0.0.44.dev20260713+nightly
codegen_flags: <defaults>
</compile_context>

<pallas_src>
import functools

import jax
import jax.numpy as jnp
from jax import lax
from jax.experimental import pallas as pl
from jax.experimental.pallas import tpu as pltpu
from jax.experimental.pallas import tpu_sc as plsc

C = 256
T = 8192
TILE = 1024
NTILE = T // TILE
TPAD = (NTILE + 1) * TILE
K = int(T * 0.15)
KPAD = 1280
SENT = T
GPAD = 1536


def _stage_a(xp_ref, w_ref, b_ref, ws_ref, bs_ref, tab_ref, sc_ref, cs_ref):
    i = pl.program_id(0)
    t0 = i * TILE
    dn = (((0,), (1,)), ((), ()))
    xw = xp_ref[:, pl.ds(t0, TILE + 128)]
    xm = lax.slice(xw, (0, 1), (C, TILE + 1))
    acc = lax.dot_general(lax.slice(xw, (0, 0), (C, TILE)), w_ref[0], dn,
                          preferred_element_type=jnp.float32)
    acc += lax.dot_general(xm, w_ref[1], dn,
                           preferred_element_type=jnp.float32)
    acc += lax.dot_general(lax.slice(xw, (0, 2), (C, TILE + 2)), w_ref[2], dn,
                           preferred_element_type=jnp.float32)
    h = jnp.maximum(acc + b_ref[...], 0.0)
    valid = jnp.where(i < NTILE, 1.0, 0.0)
    h = h * valid
    tab_ref[:, :C] = h
    tab_ref[:, C:] = jnp.transpose(xm) * valid
    s = jax.nn.sigmoid(jnp.dot(h, ws_ref[...],
                               preferred_element_type=jnp.float32)
                       + bs_ref[0, 0])
    sc_ref[0, 0, :] = s[:, 0] * valid
    cs_ref[0, 0, :] = jnp.sum(h, axis=1)


def _stage_b(sc_ref, cs_ref, idx_ref):
    s2 = sc_ref[...]
    cs = cs_ref[...]
    u = lax.bitcast_convert_type(s2, jnp.int32)

    def body(j, m):
        cand = m | (jnp.int32(1) << (jnp.int32(30) - j))
        cnt = jnp.sum(jnp.where(u >= cand, 1.0, 0.0))
        return jnp.where(cnt >= K, cand, m)

    m = lax.fori_loop(0, 31, body, jnp.int32(0))
    low = lax.bitcast_convert_type(m, jnp.float32)

    flag = jnp.logical_and(s2 >= low, cs != 0.0)
    F = flag.astype(jnp.float32)
    r = lax.broadcasted_iota(jnp.int32, (TILE, TILE), 0)
    c = lax.broadcasted_iota(jnp.int32, (TILE, TILE), 1)
    tri = (r <= c).astype(jnp.float32)
    cs1 = jnp.dot(F, tri, preferred_element_type=jnp.float32)
    rows = cs1[:, TILE - 1:TILE]
    n = NTILE + 1
    r2 = lax.broadcasted_iota(jnp.int32, (n, n), 0)
    c2 = lax.broadcasted_iota(jnp.int32, (n, n), 1)
    tri2 = (c2 < r2).astype(jnp.float32)
    ex = jnp.dot(tri2, rows, preferred_element_type=jnp.float32)
    rank = cs1 + ex

    jv = lax.broadcasted_iota(jnp.int32, (GPAD, 1), 0)
    pv = jv.astype(jnp.float32)
    lane = lax.broadcasted_iota(jnp.int32, (1, TILE), 1).astype(jnp.float32)

    acc = jnp.zeros((GPAD,), jnp.float32)
    for j in range(n):
        crow = rank[j:j + 1, :]
        frow = F[j:j + 1, :]
        tglob = lane + jnp.float32(TILE * j)
        hit = jnp.logical_and(crow == pv, frow > 0.5)
        acc = acc + jnp.sum(jnp.where(hit, tglob, 0.0), axis=1)

    in_range = jnp.logical_and(jv[:, 0] >= 1, jv[:, 0] <= K)
    idx_ref[0, :] = jnp.where(in_range, acc.astype(jnp.int32), SENT)


def _stage_d(g_ref, w_ref, b_ref, out_ref):
    gl = g_ref[0:KPAD, 0:C]
    gc = g_ref[1:KPAD + 1, :]
    gr = g_ref[2:KPAD + 2, 0:C]
    dn = (((1,), (1,)), ((), ()))
    acc = lax.dot_general(gl, w_ref[0], dn, preferred_element_type=jnp.float32)
    acc += lax.dot_general(gc[:, 0:C], w_ref[1], dn,
                           preferred_element_type=jnp.float32)
    acc += lax.dot_general(gr, w_ref[2], dn, preferred_element_type=jnp.float32)
    out_ref[...] = acc + b_ref[...] + gc[:, C:]


def _sc_gather(table, idx):
    info = plsc.get_sparse_core_info()
    nw = info.num_cores * info.num_subcores
    bpw = GPAD // nw
    mesh = plsc.VectorSubcoreMesh(core_axis_name="c", subcore_axis_name="s")

    @functools.partial(
        pl.kernel, mesh=mesh,
        out_type=jax.ShapeDtypeStruct((GPAD, 2 * C), jnp.float32),
        scratch_types=[
            pltpu.VMEM((bpw,), jnp.int32),
            pltpu.VMEM((bpw, 2 * C), jnp.float32),
            pltpu.SemaphoreType.DMA,
        ],
    )
    def k(table_hbm, idx_hbm, out_hbm, idx_v, rows_v, sem):
        wid = lax.axis_index("s") * info.num_cores + lax.axis_index("c")
        base = wid * bpw
        pltpu.sync_copy(idx_hbm.at[pl.ds(base, bpw)], idx_v)
        pltpu.async_copy(table_hbm.at[idx_v], rows_v, sem).wait()
        pltpu.sync_copy(rows_v, out_hbm.at[pl.ds(base, bpw)])

    return k(table, idx)


def kernel(x, W_fcsn, b_fcsn, W_score, b_score, W1, b1):
    x2 = x[0]
    xp = jnp.pad(x2, ((0, 0), (1, TPAD + 128 - 1 - T)))

    wf = W_fcsn.transpose(2, 0, 1)
    ws = W_score[0, :, :]
    bs = b_score.reshape(1, 1)
    bf = b_fcsn.reshape(1, C)

    grid = NTILE + 1
    tab, sc9, cs9 = pl.pallas_call(
        _stage_a,
        grid=(grid,),
        in_specs=[
            pl.BlockSpec((C, TPAD + 128), lambda i: (0, 0)),
            pl.BlockSpec((3, C, C), lambda i: (0, 0, 0)),
            pl.BlockSpec((1, C), lambda i: (0, 0)),
            pl.BlockSpec((C, 1), lambda i: (0, 0)),
            pl.BlockSpec((1, 1), lambda i: (0, 0)),
        ],
        out_specs=[
            pl.BlockSpec((TILE, 2 * C), lambda i: (i, 0)),
            pl.BlockSpec((1, 1, TILE), lambda i: (i, 0, 0)),
            pl.BlockSpec((1, 1, TILE), lambda i: (i, 0, 0)),
        ],
        out_shape=[
            jax.ShapeDtypeStruct((TPAD, 2 * C), jnp.float32),
            jax.ShapeDtypeStruct((grid, 1, TILE), jnp.float32),
            jax.ShapeDtypeStruct((grid, 1, TILE), jnp.float32),
        ],
    )(xp, wf, bf, ws, bs)

    idx1 = pl.pallas_call(
        _stage_b,
        out_shape=jax.ShapeDtypeStruct((1, GPAD), jnp.int32),
    )(sc9.reshape(grid, TILE), cs9.reshape(grid, TILE))[0]

    g_all = _sc_gather(tab, idx1)

    outT = pl.pallas_call(
        _stage_d,
        out_shape=jax.ShapeDtypeStruct((KPAD, C), jnp.float32),
    )(g_all, W1.transpose(2, 0, 1), b1.reshape(1, C))

    s = jnp.transpose(outT[:K])[None]
    return (s, idx1[1:K + 1])

# --- scband reference (transcript-rebuilt; emitter-appended) ---
"""Pipeline reference for scband-sk-72593537237553 (READ-ONLY COPY).

The authoritative reference and input builder live on the scoring server;
editing this copy changes nothing except your own understanding.
"""

import jax, jax.numpy as jnp
import numpy as np

N_CLASS = 256
T = 8192
RATIO = 0.15


def conv1d(x, w, b, pad):
    out = jax.lax.conv_general_dilated(
        x, w, window_strides=(1,), padding=[(pad, pad)],
        dimension_numbers=('NCH', 'OIH', 'NCH'))
    return out + b[None, :, None]


def setup_inputs(seed: int = 0) -> dict:
    key = jax.random.key(seed)
    ks = jax.random.split(key, 8)
    x = jax.random.normal(ks[0], (1, N_CLASS, T), dtype=jnp.float32)
    scale3 = np.float32(1.0 / np.sqrt(N_CLASS * 3))
    scale1 = np.float32(1.0 / np.sqrt(N_CLASS))
    W_fcsn = jax.random.normal(ks[1], (N_CLASS, N_CLASS, 3), dtype=jnp.float32) * scale3
    b_fcsn = jnp.zeros((N_CLASS,), dtype=jnp.float32)
    W_score = jax.random.normal(ks[2], (1, N_CLASS, 1), dtype=jnp.float32) * scale1
    b_score = jnp.zeros((1,), dtype=jnp.float32)
    W1 = jax.random.normal(ks[3], (N_CLASS, N_CLASS, 3), dtype=jnp.float32) * scale3
    b1 = jnp.zeros((N_CLASS,), dtype=jnp.float32)
    return {"x": x, "W_fcsn": W_fcsn, "b_fcsn": b_fcsn,
            "W_score": W_score, "b_score": b_score, "W1": W1, "b1": b1}


def reference(x, W_fcsn, b_fcsn, W_score, b_score, W1, b1):
    k = int(x.shape[2] * RATIO)
    # FCSN backbone (approximated as conv3 + relu, shape-preserving [B, n_class, T])
    h = jax.nn.relu(conv1d(x, W_fcsn, b_fcsn, 1))
    sk_out = h
    # score_layer: Conv1d(n_class, 1, 1) + Sigmoid
    scores = jax.nn.sigmoid(conv1d(h, W_score, b_score, 0))  # [1, 1, T]
    # top-k over time on detached scores; threshold = k-th largest value
    top_vals, _ = jax.lax.top_k(jax.lax.stop_gradient(scores), k)
    low = top_vals[0, 0, -1]
    # hard binary mask
    mask = jnp.where(scores >= low, jnp.ones_like(scores), jnp.zeros_like(scores))
    h = sk_out * mask
    # gather nonzero columns to form s
    topk_sum = jnp.sum(h, axis=1)  # [1, T]
    picks = jnp.nonzero(topk_sum, size=k)[1]
    s = h[:, :, picks]
    s = conv1d(s, W1, b1, 1)
    s = s + x[:, :, picks]
    return (s, picks)

if __name__ == "__main__":
    import jax
    _d = setup_inputs()
    print(jax.jit(kernel)(*tuple(_d.values())))

</pallas_src>

<mosaic_0001>
#map = affine_map<(d0, d1) -> (0, 0)>
#map1 = affine_map<(d0, d1) -> (0)>
module attributes {stable_mosaic.version = 14 : i64} {
  func.func @k(%arg0: i32, %arg1: i32, %arg2: memref<9216x512xf32, #tpu.memory_space<hbm>>, %arg3: memref<1536xi32, #tpu.memory_space<hbm>>, %arg4: memref<1536x512xf32, #tpu.memory_space<hbm>>, %arg5: memref<48xi32, #tpu.memory_space<vmem>>, %arg6: memref<48x512xf32, #tpu.memory_space<vmem>>, %arg7: memref<!tpu.dma_semaphore, #tpu.memory_space<semaphore_mem>>) attributes {dimension_semantics = [#tpu.dimension_semantics<core_parallel>, #tpu.dimension_semantics<subcore_parallel>], iteration_bounds = array<i64: 2, 16>, scalar_prefetch = 0 : i64, scratch_operands = 3 : i64, tpu.core_type = #tpu.core_type<sc_vector_subcore>, window_params = [{transform_indices = #map}, {transform_indices = #map1}, {transform_indices = #map}]} {
    %mul3A = arith.constant 2 : i32
    %mul3A_0 = arith.muli %arg1, %mul3A : i32
    %add3A = arith.addi %mul3A_0, %arg0 : i32
    %mul3A_1 = arith.constant 48 : i32
    %mul3A_2 = arith.muli %add3A, %mul3A_1 : i32
    "tpu.region"() ({
      %run_scoped3A = tpu.sem_alloc : memref<!tpu.dma_semaphore, #tpu.memory_space<semaphore_mem>>
      %dma_start3A_7 = tpu.memref_slice %arg3[%mul3A_2] : memref<1536xi32, #tpu.memory_space<hbm>> -> memref<48xi32, #tpu.memory_space<hbm>>
      %dma_start3A_8 = tpu.memref_slice %arg3[%mul3A_2] : memref<1536xi32, #tpu.memory_space<hbm>> -> memref<48xi32, #tpu.memory_space<hbm>>
      tpu.enqueue_dma source(%dma_start3A_8 : memref<48xi32, #tpu.memory_space<hbm>>) target(%arg5 : memref<48xi32, #tpu.memory_space<vmem>>) target_semaphore(%run_scoped3A : memref<!tpu.dma_semaphore, #tpu.memory_space<semaphore_mem>>)
      %dma_wait3A_9 = tpu.memref_slice %arg3[%mul3A_2] : memref<1536xi32, #tpu.memory_space<hbm>> -> memref<48xi32, #tpu.memory_space<hbm>>
      %dma_wait3A_10 = tpu.memref_slice %arg3[%mul3A_2] : memref<1536xi32, #tpu.memory_space<hbm>> -> memref<48xi32, #tpu.memory_space<hbm>>
      tpu.wait_dma2 semaphore(%run_scoped3A : memref<!tpu.dma_semaphore, #tpu.memory_space<semaphore_mem>>) src(%dma_wait3A_10 : memref<48xi32, #tpu.memory_space<hbm>>) dst(%arg5 : memref<48xi32, #tpu.memory_space<vmem>>)
      tpu.yield
    }) : () -> ()
    %dma_start3A = arith.constant 0 : i32
    %dma_start3A_3 = arith.constant 0 : i32
    %dma_start3A_4 = tpu.memref_slice %arg2[%dma_start3A, %dma_start3A_3] : memref<9216x512xf32, #tpu.memory_space<hbm>> -> memref<9216x512xf32, #tpu.memory_space<hbm>>
    tpu.enqueue_indirect_dma source(%dma_start3A_4 : memref<9216x512xf32, #tpu.memory_space<hbm>>) target(%arg6 : memref<48x512xf32, #tpu.memory_space<vmem>>) offsets(%arg5 : memref<48xi32, #tpu.memory_space<vmem>>) semaphore(%arg7 : memref<!tpu.dma_semaphore, #tpu.memory_space<semaphore_mem>>)
    %dma_wait3A = arith.constant 0 : i32
    %dma_wait3A_5 = arith.constant 0 : i32
    %dma_wait3A_6 = tpu.memref_slice %arg2[%dma_wait3A, %dma_wait3A_5] : memref<9216x512xf32, #tpu.memory_space<hbm>> -> memref<9216x512xf32, #tpu.memory_space<hbm>>
    tpu.wait_indirect_dma semaphore(%arg7 : memref<!tpu.dma_semaphore, #tpu.memory_space<semaphore_mem>>) src(%dma_wait3A_6 : memref<9216x512xf32, #tpu.memory_space<hbm>>) dst(%arg6 : memref<48x512xf32, #tpu.memory_space<vmem>>)
    "tpu.region"() ({
      %run_scoped3A = tpu.sem_alloc : memref<!tpu.dma_semaphore, #tpu.memory_space<semaphore_mem>>
      %dma_start3A_7 = arith.constant 0 : i32
      %dma_start3A_8 = tpu.memref_slice %arg4[%mul3A_2, %dma_start3A_7] : memref<1536x512xf32, #tpu.memory_space<hbm>> -> memref<48x512xf32, #tpu.memory_space<hbm>>
      %dma_start3A_9 = arith.constant 0 : i32
      %dma_start3A_10 = tpu.memref_slice %arg4[%mul3A_2, %dma_start3A_9] : memref<1536x512xf32, #tpu.memory_space<hbm>> -> memref<48x512xf32, #tpu.memory_space<hbm>>
      tpu.enqueue_dma source(%arg6 : memref<48x512xf32, #tpu.memory_space<vmem>>) target(%dma_start3A_10 : memref<48x512xf32, #tpu.memory_space<hbm>>) target_semaphore(%run_scoped3A : memref<!tpu.dma_semaphore, #tpu.memory_space<semaphore_mem>>)
      %dma_wait3A_11 = arith.constant 0 : i32
      %dma_wait3A_12 = tpu.memref_slice %arg4[%mul3A_2, %dma_wait3A_11] : memref<1536x512xf32, #tpu.memory_space<hbm>> -> memref<48x512xf32, #tpu.memory_space<hbm>>
      %dma_wait3A_13 = arith.constant 0 : i32
      %dma_wait3A_14 = tpu.memref_slice %arg4[%mul3A_2, %dma_wait3A_13] : memref<1536x512xf32, #tpu.memory_space<hbm>> -> memref<48x512xf32, #tpu.memory_space<hbm>>
      tpu.wait_dma2 semaphore(%run_scoped3A : memref<!tpu.dma_semaphore, #tpu.memory_space<semaphore_mem>>) src(%arg6 : memref<48x512xf32, #tpu.memory_space<vmem>>) dst(%dma_wait3A_14 : memref<48x512xf32, #tpu.memory_space<hbm>>)
      tpu.yield
    }) : () -> ()
    return
  }
}

module attributes {stable_mosaic.version = 14 : i64} {
  func.func @_stage_a(%arg0: i32, %arg1: memref<256x9344xf32, #tpu.memory_space<vmem>>, %arg2: memref<3x256x256xf32, #tpu.memory_space<vmem>>, %arg3: memref<1x256xf32, #tpu.memory_space<vmem>>, %arg4: memref<256x1xf32, #tpu.memory_space<vmem>>, %arg5: memref<1x1xf32, #tpu.memory_space<vmem>>, %arg6: memref<1024x512xf32, #tpu.memory_space<vmem>>, %arg7: memref<1x1x1024xf32, #tpu.memory_space<vmem>>, %arg8: memref<1x1x1024xf32, #tpu.memory_space<vmem>>) attributes {dimension_semantics = [#tpu.dimension_semantics<arbitrary>], iteration_bounds = array<i64: 9>, scalar_prefetch = 0 : i64, scratch_operands = 0 : i64, tpu.core_type = #tpu.core_type<tc>, window_params = [{pipeline_mode = #tpu.pipeline_mode<synchronous>, transform_indices = @transform_0, window_bounds = array<i64: 256, 9344>}, {pipeline_mode = #tpu.pipeline_mode<synchronous>, transform_indices = @transform_1, window_bounds = array<i64: 3, 256, 256>}, {pipeline_mode = #tpu.pipeline_mode<synchronous>, transform_indices = @transform_2, window_bounds = array<i64: 1, 256>}, {pipeline_mode = #tpu.pipeline_mode<synchronous>, transform_indices = @transform_3, window_bounds = array<i64: 256, 1>}, {pipeline_mode = #tpu.pipeline_mode<synchronous>, transform_indices = @transform_4, window_bounds = array<i64: 1, 1>}, {transform_indices = @transform_5, window_bounds = array<i64: 1024, 512>}, {transform_indices = @transform_6, window_bounds = array<i64: 1, 1, 1024>}, {transform_indices = @transform_7, window_bounds = array<i64: 1, 1, 1024>}]} {
    %mul3A = arith.constant 1024 : i32
    %mul3A_0 = arith.muli %arg0, %mul3A : i32
    %get3A = arith.constant 0 : index
    %get3A_1 = arith.index_cast %mul3A_0 : i32 to index
    %get3A_2 = vector.load %arg1[%get3A, %get3A_1] : memref<256x9344xf32, #tpu.memory_space<vmem>>, vector<256x1152xf32>
    %slice3A = vector.extract_strided_slice %get3A_2 {offsets = [0, 1], sizes = [256, 1024], strides = [1, 1]} : vector<256x1152xf32> to vector<256x1024xf32>
    %slice3A_3 = vector.extract_strided_slice %get3A_2 {offsets = [0, 0], sizes = [256, 1024], strides = [1, 1]} : vector<256x1152xf32> to vector<256x1024xf32>
    %get3A_4 = arith.constant 0 : index
    %get3A_5 = arith.constant 0 : index
    %get3A_6 = arith.constant 0 : index
    %get3A_7 = vector.load %arg2[%get3A_4, %get3A_5, %get3A_6] : memref<3x256x256xf32, #tpu.memory_space<vmem>>, vector<1x256x256xf32>
    %get3A_8 = vector.shape_cast %get3A_7 : vector<1x256x256xf32> to vector<256x256xf32>
    %dot_general3A = arith.constant dense<0.000000e+00> : vector<1024x256xf32>
    %dot_general3A_9 = tpu.matmul %slice3A_3, %get3A_8, %dot_general3A {dimension_numbers = #tpu.dot_dimension_numbers<[0], [1], [1], [0], [0, 1, 1, 0], [], []>, transpose_lhs_hint = false} : vector<256x1024xf32>, vector<256x256xf32>, vector<1024x256xf32> -> vector<1024x256xf32>
    %get3A_10 = arith.constant 1 : index
    %get3A_11 = arith.constant 0 : index
    %get3A_12 = arith.constant 0 : index
    %get3A_13 = vector.load %arg2[%get3A_10, %get3A_11, %get3A_12] : memref<3x256x256xf32, #tpu.memory_space<vmem>>, vector<1x256x256xf32>
    %get3A_14 = vector.shape_cast %get3A_13 : vector<1x256x256xf32> to vector<256x256xf32>
    %dot_general3A_15 = arith.constant dense<0.000000e+00> : vector<1024x256xf32>
    %dot_general3A_16 = tpu.matmul %slice3A, %get3A_14, %dot_general3A_15 {dimension_numbers = #tpu.dot_dimension_numbers<[0], [1], [1], [0], [0, 1, 1, 0], [], []>, transpose_lhs_hint = false} : vector<256x1024xf32>, vector<256x256xf32>, vector<1024x256xf32> -> vector<1024x256xf32>
    %add3A = arith.addf %dot_general3A_9, %dot_general3A_16 : vector<1024x256xf32>
    %slice3A_17 = vector.extract_strided_slice %get3A_2 {offsets = [0, 2], sizes = [256, 1024], strides = [1, 1]} : vector<256x1152xf32> to vector<256x1024xf32>
    %get3A_18 = arith.constant 2 : index
    %get3A_19 = arith.constant 0 : index
    %get3A_20 = arith.constant 0 : index
    %get3A_21 = vector.load %arg2[%get3A_18, %get3A_19, %get3A_20] : memref<3x256x256xf32, #tpu.memory_space<vmem>>, vector<1x256x256xf32>
    %get3A_22 = vector.shape_cast %get3A_21 : vector<1x256x256xf32> to vector<256x256xf32>
    %dot_general3A_23 = arith.constant dense<0.000000e+00> : vector<1024x256xf32>
    %dot_general3A_24 = tpu.matmul %slice3A_17, %get3A_22, %dot_general3A_23 {dimension_numbers = #tpu.dot_dimension_numbers<[0], [1], [1], [0], [0, 1, 1, 0], [], []>, transpose_lhs_hint = false} : vector<256x1024xf32>, vector<256x256xf32>, vector<1024x256xf32> -> vector<1024x256xf32>
    %add3A_25 = arith.addf %add3A, %dot_general3A_24 : vector<1024x256xf32>
    %get3A_26 = arith.constant 0 : index
    %get3A_27 = arith.constant 0 : index
    %get3A_28 = vector.load %arg3[%get3A_26, %get3A_27] : memref<1x256xf32, #tpu.memory_space<vmem>>, vector<1x256xf32>
    %add3A_29 = vector.broadcast %get3A_28 : vector<1x256xf32> to vector<1024x256xf32>
    %add3A_30 = arith.addf %add3A_25, %add3A_29 : vector<1024x256xf32>
    %max3A = arith.constant 0.000000e+00 : f32
    %max3A_31 = vector.broadcast %max3A : f32 to vector<1024x256xf32>
    %max3A_32 = arith.maximumf %add3A_30, %max3A_31 : vector<1024x256xf32>
    %lt3A = arith.constant 8 : i32
    %lt3A_33 = arith.cmpi slt, %arg0, %lt3A : i32
    %jit3A = arith.constant 1.000000e+00 : f32
    %jit3A_34 = arith.constant 0.000000e+00 : f32
    %select_n3A = arith.select %lt3A_33, %jit3A, %jit3A_34 : f32
    %mul3A_35 = vector.broadcast %select_n3A : f32 to vector<1024x256xf32>
    %mul3A_36 = arith.mulf %max3A_32, %mul3A_35 : vector<1024x256xf32>
    %swap3A = arith.constant 0 : index
    %swap3A_37 = arith.constant 0 : index
    %swap3A_38 = vector.load %arg6[%swap3A, %swap3A_37] : memref<1024x512xf32, #tpu.memory_space<vmem>>, vector<1024x256xf32>
    tpu.vector_store %arg6[%swap3A, %swap3A_37], %mul3A_36 {strides = array<i32>} : memref<1024x512xf32, #tpu.memory_space<vmem>>, vector<1024x256xf32>,
    %transpose3A = tpu.transpose %slice3A, [1, 0] : vector<256x1024xf32> -> vector<1024x256xf32>
    %mul3A_39 = vector.broadcast %select_n3A : f32 to vector<1024x256xf32>
    %mul3A_40 = arith.mulf %transpose3A, %mul3A_39 : vector<1024x256xf32>
    %swap3A_41 = arith.constant 0 : index
    %swap3A_42 = arith.constant 256 : index
    %swap3A_43 = vector.load %arg6[%swap3A_41, %swap3A_42] : memref<1024x512xf32, #tpu.memory_space<vmem>>, vector<1024x256xf32>
    tpu.vector_store %arg6[%swap3A_41, %swap3A_42], %mul3A_40 {strides = array<i32>} : memref<1024x512xf32, #tpu.memory_space<vmem>>, vector<1024x256xf32>,
    %get3A_44 = arith.constant 0 : index
    %get3A_45 = arith.constant 0 : index
    %get3A_46 = vector.load %arg4[%get3A_44, %get3A_45] : memref<256x1xf32, #tpu.memory_space<vmem>>, vector<256x1xf32>
    %dot_general3A_47 = arith.constant dense<0.000000e+00> : vector<1024x1xf32>
    %dot_general3A_48 = tpu.matmul %mul3A_36, %get3A_46, %dot_general3A_47 {dimension_numbers = #tpu.dot_dimension_numbers<[1], [0], [0], [1], [0, 0, 1, 1], [], []>, transpose_lhs_hint = false} : vector<1024x256xf32>, vector<256x1xf32>, vector<1024x1xf32> -> vector<1024x1xf32>
    %get3A_49 = arith.constant 0 : index
    %get3A_50 = arith.constant 0 : index
    %get3A_51 = vector.load %arg5[%get3A_49, %get3A_50] : memref<1x1xf32, #tpu.memory_space<vmem>>, vector<1x1xf32>
    %get3A_52 = vector.extract %get3A_51[0, 0] : f32 from vector<1x1xf32>
    %add3A_53 = vector.broadcast %get3A_52 : f32 to vector<1024x1xf32>
    %add3A_54 = arith.addf %dot_general3A_48, %add3A_53 : vector<1024x1xf32>
    %logistic3A = arith.negf %add3A_54 : vector<1024x1xf32>
    %logistic3A_55 = math.exp %logistic3A : vector<1024x1xf32>
    %logistic3A_56 = arith.constant 1.000000e+00 : f32
    %logistic3A_57 = vector.broadcast %logistic3A_56 : f32 to vector<1024x1xf32>
    %logistic3A_58 = arith.addf %logistic3A_57, %logistic3A_55 : vector<1024x1xf32>
    %logistic3A_59 = arith.divf %logistic3A_57, %logistic3A_58 : vector<1024x1xf32>
    %squeeze3A = vector.shape_cast %logistic3A_59 : vector<1024x1xf32> to vector<1024xf32>
    %mul3A_60 = vector.broadcast %select_n3A : f32 to vector<1024xf32>
    %mul3A_61 = arith.mulf %squeeze3A, %mul3A_60 : vector<1024xf32>
    %swap3A_62 = arith.constant 0 : index
    %swap3A_63 = arith.constant 0 : index
    %swap3A_64 = arith.constant 0 : index
    %swap3A_65 = vector.load %arg7[%swap3A_62, %swap3A_63, %swap3A_64] : memref<1x1x1024xf32, #tpu.memory_space<vmem>>, vector<1x1x1024xf32>
    %swap3A_66 = vector.shape_cast %swap3A_65 : vector<1x1x1024xf32> to vector<1024xf32>
    %swap3A_67 = vector.shape_cast %mul3A_61 : vector<1024xf32> to vector<1x1x1024xf32>
    tpu.vector_store %arg7[%swap3A_62, %swap3A_63, %swap3A_64], %swap3A_67 {strides = array<i32>} : memref<1x1x1024xf32, #tpu.memory_space<vmem>>, vector<1x1x1024xf32>,
    %reduce_sum3A = arith.constant dense<0.000000e+00> : vector<1024xf32>
    %reduce_sum3A_68 = vector.multi_reduction <add>, %mul3A_36, %reduce_sum3A [1] : vector<1024x256xf32> to vector<1024xf32>
    %swap3A_69 = arith.constant 0 : index
    %swap3A_70 = arith.constant 0 : index
    %swap3A_71 = arith.constant 0 : index
    %swap3A_72 = vector.load %arg8[%swap3A_69, %swap3A_70, %swap3A_71] : memref<1x1x1024xf32, #tpu.memory_space<vmem>>, vector<1x1x1024xf32>
    %swap3A_73 = vector.shape_cast %swap3A_72 : vector<1x1x1024xf32> to vector<1024xf32>
    %swap3A_74 = vector.shape_cast %reduce_sum3A_68 : vector<1024xf32> to vector<1x1x1024xf32>
    tpu.vector_store %arg8[%swap3A_69, %swap3A_70, %swap3A_71], %swap3A_74 {strides = array<i32>} : memref<1x1x1024xf32, #tpu.memory_space<vmem>>, vector<1x1x1024xf32>,
    return
  }
  func.func @transform_0(%arg0: i32) -> (i32, i32) {
    %c0_i32 = arith.constant 0 : i32
    %c0_i32_0 = arith.constant 0 : i32
    %c0_i32_1 = arith.constant 0 : i32
    return %c0_i32, %c0_i32_0 : i32, i32
  }
  func.func @transform_1(%arg0: i32) -> (i32, i32, i32) {
    %c0_i32 = arith.constant 0 : i32
    %c0_i32_0 = arith.constant 0 : i32
    %c0_i32_1 = arith.constant 0 : i32
    %c0_i32_2 = arith.constant 0 : i32
    return %c0_i32, %c0_i32_0, %c0_i32_1 : i32, i32, i32
  }
  func.func @transform_2(%arg0: i32) -> (i32, i32) {
    %c0_i32 = arith.constant 0 : i32
    %c0_i32_0 = arith.constant 0 : i32
    %c0_i32_1 = arith.constant 0 : i32
    return %c0_i32, %c0_i32_0 : i32, i32
  }
  func.func @transform_3(%arg0: i32) -> (i32, i32) {
    %c0_i32 = arith.constant 0 : i32
    %c0_i32_0 = arith.constant 0 : i32
    %c0_i32_1 = arith.constant 0 : i32
    return %c0_i32, %c0_i32_0 : i32, i32
  }
  func.func @transform_4(%arg0: i32) -> (i32, i32) {
    %c0_i32 = arith.constant 0 : i32
    %c0_i32_0 = arith.constant 0 : i32
    %c0_i32_1 = arith.constant 0 : i32
    return %c0_i32, %c0_i32_0 : i32, i32
  }
  func.func @transform_5(%arg0: i32) -> (i32, i32) {
    %c0_i32 = arith.constant 0 : i32
    %c0_i32_0 = arith.constant 0 : i32
    return %arg0, %c0_i32 : i32, i32
  }
  func.func @transform_6(%arg0: i32) -> (i32, i32, i32) {
    %c0_i32 = arith.constant 0 : i32
    %c0_i32_0 = arith.constant 0 : i32
    %c0_i32_1 = arith.constant 0 : i32
    return %arg0, %c0_i32, %c0_i32_0 : i32, i32, i32
  }
  func.func @transform_7(%arg0: i32) -> (i32, i32, i32) {
    %c0_i32 = arith.constant 0 : i32
    %c0_i32_0 = arith.constant 0 : i32
    %c0_i32_1 = arith.constant 0 : i32
    return %arg0, %c0_i32, %c0_i32_0 : i32, i32, i32
  }
}

module attributes {stable_mosaic.version = 14 : i64} {
  func.func @_stage_b(%arg0: memref<9x1024xf32, #tpu.memory_space<vmem>>, %arg1: memref<9x1024xf32, #tpu.memory_space<vmem>>, %arg2: memref<1x1536xi32, #tpu.memory_space<vmem>>) attributes {dimension_semantics = [], scalar_prefetch = 0 : i64, scratch_operands = 0 : i64, tpu.core_type = #tpu.core_type<tc>} {
    %get3A = arith.constant 0 : index
    %get3A_0 = arith.constant 0 : index
    %get3A_1 = vector.load %arg0[%get3A, %get3A_0] : memref<9x1024xf32, #tpu.memory_space<vmem>>, vector<9x1024xf32>
    %get3A_2 = arith.constant 0 : index
    %get3A_3 = arith.constant 0 : index
    %get3A_4 = vector.load %arg1[%get3A_2, %get3A_3] : memref<9x1024xf32, #tpu.memory_space<vmem>>, vector<9x1024xf32>
    %bitcast_convert_type3A = tpu.bitcast %get3A_1 : vector<9x1024xf32> -> vector<9x1024xi32>
    %scan3A = arith.constant 0 : i32
    %scan3A_5 = arith.constant 0 : i32
    %scan3A_6 = arith.constant 31 : i32
    %scan3A_7 = arith.addi %scan3A_5, %scan3A_6 : i32
    %scan3A_8 = arith.constant 1 : i32
    %scan3A_9 = scf.for %scan3A_232 = %scan3A_5 to %scan3A_7 step %scan3A_8 iter_args(%scan3A_233 = %scan3A) -> (i32)  : i32 {
      %sub3A = arith.constant 30 : i32
      %sub3A_234 = arith.subi %sub3A, %scan3A_232 : i32
      %shift_left3A = arith.constant 1 : i32
      %shift_left3A_235 = arith.shli %shift_left3A, %sub3A_234 : i32
      %or3A = arith.ori %scan3A_233, %shift_left3A_235 : i32
      %ge3A_236 = vector.broadcast %or3A : i32 to vector<9x1024xi32>
      %ge3A_237 = arith.cmpi sge, %bitcast_convert_type3A, %ge3A_236 : vector<9x1024xi32>
      %jit3A_238 = arith.constant 1.000000e+00 : f32
      %jit3A_239 = arith.constant 0.000000e+00 : f32
      %broadcast_in_dim3A_240 = vector.broadcast %jit3A_238 : f32 to vector<9x1024xf32>
      %broadcast_in_dim3A_241 = vector.broadcast %jit3A_239 : f32 to vector<9x1024xf32>
      %select_n3A_242 = arith.select %ge3A_237, %broadcast_in_dim3A_240, %broadcast_in_dim3A_241 : vector<9x1024xi1>, vector<9x1024xf32>
      %reduce_sum3A_243 = vector.shape_cast %select_n3A_242 : vector<9x1024xf32> to vector<1x9x1024xf32>
      %reduce_sum3A_244 = arith.constant dense<0.000000e+00> : vector<1xf32>
      %reduce_sum3A_245 = vector.multi_reduction <add>, %reduce_sum3A_243, %reduce_sum3A_244 [1, 2] : vector<1x9x1024xf32> to vector<1xf32>
      %reduce_sum3A_246 = vector.shape_cast %reduce_sum3A_245 : vector<1xf32> to vector<1x1x1xf32>
      %reduce_sum3A_247 = vector.extract %reduce_sum3A_246[0, 0, 0] : f32 from vector<1x1x1xf32>
      %ge3A_248 = arith.constant 1.228000e+03 : f32
      %ge3A_249 = arith.cmpf oge, %reduce_sum3A_247, %ge3A_248 : f32
      %select_n3A_250 = arith.select %ge3A_249, %or3A, %scan3A_233 : i32
      scf.yield %select_n3A_250 : i32
    }
    %scan3A_10 = arith.constant 31 : i32
    %bitcast_convert_type3A_11 = arith.bitcast %scan3A_9 : i32 to f32
    %ge3A = vector.broadcast %bitcast_convert_type3A_11 : f32 to vector<9x1024xf32>
    %ge3A_12 = arith.cmpf oge, %get3A_1, %ge3A : vector<9x1024xf32>
    %ne3A = arith.constant 0.000000e+00 : f32
    %ne3A_13 = vector.broadcast %ne3A : f32 to vector<9x1024xf32>
    %ne3A_14 = arith.cmpf one, %get3A_4, %ne3A_13 : vector<9x1024xf32>
    %and3A = arith.andi %ge3A_12, %ne3A_14 : vector<9x1024xi1>
    %convert_element_type3A = arith.extui %and3A : vector<9x1024xi1> to vector<9x1024xi32>
    %convert_element_type3A_15 = arith.sitofp %convert_element_type3A : vector<9x1024xi32> to vector<9x1024xf32>
    %iota3A = tpu.iota {dimensions = array<i32: 0>} : vector<1024x1024xi32>
    %iota3A_16 = tpu.iota {dimensions = array<i32: 1>} : vector<1024x1024xi32>
    %le3A = arith.cmpi sle, %iota3A, %iota3A_16 : vector<1024x1024xi32>
    %convert_element_type3A_17 = arith.extui %le3A : vector<1024x1024xi1> to vector<1024x1024xi32>
    %convert_element_type3A_18 = arith.sitofp %convert_element_type3A_17 : vector<1024x1024xi32> to vector<1024x1024xf32>
    %dot_general3A = arith.constant dense<0.000000e+00> : vector<9x1024xf32>
    %dot_general3A_19 = tpu.matmul %convert_element_type3A_15, %convert_element_type3A_18, %dot_general3A {dimension_numbers = #tpu.dot_dimension_numbers<[1], [0], [0], [1], [0, 0, 1, 1], [], []>, transpose_lhs_hint = false} : vector<9x1024xf32>, vector<1024x1024xf32>, vector<9x1024xf32> -> vector<9x1024xf32>
    %slice3A = vector.extract_strided_slice %dot_general3A_19 {offsets = [0, 1023], sizes = [9, 1], strides = [1, 1]} : vector<9x1024xf32> to vector<9x1xf32>
    %iota3A_20 = tpu.iota {dimensions = array<i32: 0>} : vector<9x9xi32>
    %iota3A_21 = tpu.iota {dimensions = array<i32: 1>} : vector<9x9xi32>
    %lt3A = arith.cmpi slt, %iota3A_21, %iota3A_20 : vector<9x9xi32>
    %convert_element_type3A_22 = arith.extui %lt3A : vector<9x9xi1> to vector<9x9xi32>
    %convert_element_type3A_23 = arith.sitofp %convert_element_type3A_22 : vector<9x9xi32> to vector<9x9xf32>
    %dot_general3A_24 = arith.constant dense<0.000000e+00> : vector<9x1xf32>
    %dot_general3A_25 = tpu.matmul %convert_element_type3A_23, %slice3A, %dot_general3A_24 {dimension_numbers = #tpu.dot_dimension_numbers<[1], [0], [0], [1], [0, 0, 1, 1], [], []>, transpose_lhs_hint = false} : vector<9x9xf32>, vector<9x1xf32>, vector<9x1xf32> -> vector<9x1xf32>
    %add3A = vector.broadcast %dot_general3A_25 : vector<9x1xf32> to vector<9x1024xf32>
    %add3A_26 = arith.addf %dot_general3A_19, %add3A : vector<9x1024xf32>
    %iota3A_27 = tpu.iota {dimensions = array<i32: 0>} : vector<1536x1xi32>
    %convert_element_type3A_28 = arith.sitofp %iota3A_27 : vector<1536x1xi32> to vector<1536x1xf32>
    %iota3A_29 = tpu.iota {dimensions = array<i32: 1>} : vector<1x1024xi32>
    %convert_element_type3A_30 = arith.sitofp %iota3A_29 : vector<1x1024xi32> to vector<1x1024xf32>
    %broadcast_in_dim3A = arith.constant 0.000000e+00 : f32
    %broadcast_in_dim3A_31 = vector.broadcast %broadcast_in_dim3A : f32 to vector<1536xf32>
    %slice3A_32 = vector.extract_strided_slice %add3A_26 {offsets = [0, 0], sizes = [1, 1024], strides = [1, 1]} : vector<9x1024xf32> to vector<1x1024xf32>
    %slice3A_33 = vector.extract_strided_slice %convert_element_type3A_15 {offsets = [0, 0], sizes = [1, 1024], strides = [1, 1]} : vector<9x1024xf32> to vector<1x1024xf32>
    %add3A_34 = arith.constant 0.000000e+00 : f32
    %add3A_35 = vector.broadcast %add3A_34 : f32 to vector<1x1024xf32>
    %add3A_36 = arith.addf %convert_element_type3A_30, %add3A_35 : vector<1x1024xf32>
    %eq3A = vector.broadcast %slice3A_32 : vector<1x1024xf32> to vector<1536x1024xf32>
    %eq3A_37 = vector.broadcast %convert_element_type3A_28 : vector<1536x1xf32> to vector<1536x1024xf32>
    %eq3A_38 = arith.cmpf oeq, %eq3A, %eq3A_37 : vector<1536x1024xf32>
    %gt3A = arith.constant 5.000000e-01 : f32
    %gt3A_39 = vector.broadcast %gt3A : f32 to vector<1x1024xf32>
    %gt3A_40 = arith.cmpf ogt, %slice3A_33, %gt3A_39 : vector<1x1024xf32>
    %and3A_41 = vector.broadcast %gt3A_40 : vector<1x1024xi1> to vector<1536x1024xi1>
    %and3A_42 = arith.andi %eq3A_38, %and3A_41 : vector<1536x1024xi1>
    %jit3A = arith.constant 0.000000e+00 : f32
    %broadcast_in_dim3A_43 = vector.shape_cast %add3A_36 : vector<1x1024xf32> to vector<1x1024xf32>
    %broadcast_in_dim3A_44 = vector.broadcast %broadcast_in_dim3A_43 : vector<1x1024xf32> to vector<1536x1024xf32>
    %broadcast_in_dim3A_45 = vector.broadcast %jit3A : f32 to vector<1536x1024xf32>
    %select_n3A = arith.select %and3A_42, %broadcast_in_dim3A_44, %broadcast_in_dim3A_45 : vector<1536x1024xi1>, vector<1536x1024xf32>
    %reduce_sum3A = arith.constant dense<0.000000e+00> : vector<1536xf32>
    %reduce_sum3A_46 = vector.multi_reduction <add>, %select_n3A, %reduce_sum3A [1] : vector<1536x1024xf32> to vector<1536xf32>
    %add3A_47 = arith.addf %broadcast_in_dim3A_31, %reduce_sum3A_46 : vector<1536xf32>
    %slice3A_48 = vector.extract_strided_slice %add3A_26 {offsets = [1, 0], sizes = [1, 1024], strides = [1, 1]} : vector<9x1024xf32> to vector<1x1024xf32>
    %slice3A_49 = vector.extract_strided_slice %convert_element_type3A_15 {offsets = [1, 0], sizes = [1, 1024], strides = [1, 1]} : vector<9x1024xf32> to vector<1x1024xf32>
    %add3A_50 = arith.constant 1.024000e+03 : f32
    %add3A_51 = vector.broadcast %add3A_50 : f32 to vector<1x1024xf32>
    %add3A_52 = arith.addf %convert_element_type3A_30, %add3A_51 : vector<1x1024xf32>
    %eq3A_53 = vector.broadcast %slice3A_48 : vector<1x1024xf32> to vector<1536x1024xf32>
    %eq3A_54 = vector.broadcast %convert_element_type3A_28 : vector<1536x1xf32> to vector<1536x1024xf32>
    %eq3A_55 = arith.cmpf oeq, %eq3A_53, %eq3A_54 : vector<1536x1024xf32>
    %gt3A_56 = arith.constant 5.000000e-01 : f32
    %gt3A_57 = vector.broadcast %gt3A_56 : f32 to vector<1x1024xf32>
    %gt3A_58 = arith.cmpf ogt, %slice3A_49, %gt3A_57 : vector<1x1024xf32>
    %and3A_59 = vector.broadcast %gt3A_58 : vector<1x1024xi1> to vector<1536x1024xi1>
    %and3A_60 = arith.andi %eq3A_55, %and3A_59 : vector<1536x1024xi1>
    %jit3A_61 = arith.constant 0.000000e+00 : f32
    %broadcast_in_dim3A_62 = vector.shape_cast %add3A_52 : vector<1x1024xf32> to vector<1x1024xf32>
    %broadcast_in_dim3A_63 = vector.broadcast %broadcast_in_dim3A_62 : vector<1x1024xf32> to vector<1536x1024xf32>
    %broadcast_in_dim3A_64 = vector.broadcast %jit3A_61 : f32 to vector<1536x1024xf32>
    %select_n3A_65 = arith.select %and3A_60, %broadcast_in_dim3A_63, %broadcast_in_dim3A_64 : vector<1536x1024xi1>, vector<1536x1024xf32>
    %reduce_sum3A_66 = arith.constant dense<0.000000e+00> : vector<1536xf32>
    %reduce_sum3A_67 = vector.multi_reduction <add>, %select_n3A_65, %reduce_sum3A_66 [1] : vector<1536x1024xf32> to vector<1536xf32>
    %add3A_68 = arith.addf %add3A_47, %reduce_sum3A_67 : vector<1536xf32>
    %slice3A_69 = vector.extract_strided_slice %add3A_26 {offsets = [2, 0], sizes = [1, 1024], strides = [1, 1]} : vector<9x1024xf32> to vector<1x1024xf32>
    %slice3A_70 = vector.extract_strided_slice %convert_element_type3A_15 {offsets = [2, 0], sizes = [1, 1024], strides = [1, 1]} : vector<9x1024xf32> to vector<1x1024xf32>
    %add3A_71 = arith.constant 2.048000e+03 : f32
    %add3A_72 = vector.broadcast %add3A_71 : f32 to vector<1x1024xf32>
    %add3A_73 = arith.addf %convert_element_type3A_30, %add3A_72 : vector<1x1024xf32>
    %eq3A_74 = vector.broadcast %slice3A_69 : vector<1x1024xf32> to vector<1536x1024xf32>
    %eq3A_75 = vector.broadcast %convert_element_type3A_28 : vector<1536x1xf32> to vector<1536x1024xf32>
    %eq3A_76 = arith.cmpf oeq, %eq3A_74, %eq3A_75 : vector<1536x1024xf32>
    %gt3A_77 = arith.constant 5.000000e-01 : f32
    %gt3A_78 = vector.broadcast %gt3A_77 : f32 to vector<1x1024xf32>
    %gt3A_79 = arith.cmpf ogt, %slice3A_70, %gt3A_78 : vector<1x1024xf32>
    %and3A_80 = vector.broadcast %gt3A_79 : vector<1x1024xi1> to vector<1536x1024xi1>
    %and3A_81 = arith.andi %eq3A_76, %and3A_80 : vector<1536x1024xi1>
    %jit3A_82 = arith.constant 0.000000e+00 : f32
    %broadcast_in_dim3A_83 = vector.shape_cast %add3A_73 : vector<1x1024xf32> to vector<1x1024xf32>
    %broadcast_in_dim3A_84 = vector.broadcast %broadcast_in_dim3A_83 : vector<1x1024xf32> to vector<1536x1024xf32>
    %broadcast_in_dim3A_85 = vector.broadcast %jit3A_82 : f32 to vector<1536x1024xf32>
    %select_n3A_86 = arith.select %and3A_81, %broadcast_in_dim3A_84, %broadcast_in_dim3A_85 : vector<1536x1024xi1>, vector<1536x1024xf32>
    %reduce_sum3A_87 = arith.constant dense<0.000000e+00> : vector<1536xf32>
    %reduce_sum3A_88 = vector.multi_reduction <add>, %select_n3A_86, %reduce_sum3A_87 [1] : vector<1536x1024xf32> to vector<1536xf32>
    %add3A_89 = arith.addf %add3A_68, %reduce_sum3A_88 : vector<1536xf32>
    %slice3A_90 = vector.extract_strided_slice %add3A_26 {offsets = [3, 0], sizes = [1, 1024], strides = [1, 1]} : vector<9x1024xf32> to vector<1x1024xf32>
    %slice3A_91 = vector.extract_strided_slice %convert_element_type3A_15 {offsets = [3, 0], sizes = [1, 1024], strides = [1, 1]} : vector<9x1024xf32> to vector<1x1024xf32>
    %add3A_92 = arith.constant 3.072000e+03 : f32
    %add3A_93 = vector.broadcast %add3A_92 : f32 to vector<1x1024xf32>
    %add3A_94 = arith.addf %convert_element_type3A_30, %add3A_93 : vector<1x1024xf32>
    %eq3A_95 = vector.broadcast %slice3A_90 : vector<1x1024xf32> to vector<1536x1024xf32>
    %eq3A_96 = vector.broadcast %convert_element_type3A_28 : vector<1536x1xf32> to vector<1536x1024xf32>
    %eq3A_97 = arith.cmpf oeq, %eq3A_95, %eq3A_96 : vector<1536x1024xf32>
    %gt3A_98 = arith.constant 5.000000e-01 : f32
    %gt3A_99 = vector.broadcast %gt3A_98 : f32 to vector<1x1024xf32>
    %gt3A_100 = arith.cmpf ogt, %slice3A_91, %gt3A_99 : vector<1x1024xf32>
    %and3A_101 = vector.broadcast %gt3A_100 : vector<1x1024xi1> to vector<1536x1024xi1>
    %and3A_102 = arith.andi %eq3A_97, %and3A_101 : vector<1536x1024xi1>
    %jit3A_103 = arith.constant 0.000000e+00 : f32
    %broadcast_in_dim3A_104 = vector.shape_cast %add3A_94 : vector<1x1024xf32> to vector<1x1024xf32>
    %broadcast_in_dim3A_105 = vector.broadcast %broadcast_in_dim3A_104 : vector<1x1024xf32> to vector<1536x1024xf32>
    %broadcast_in_dim3A_106 = vector.broadcast %jit3A_103 : f32 to vector<1536x1024xf32>
    %select_n3A_107 = arith.select %and3A_102, %broadcast_in_dim3A_105, %broadcast_in_dim3A_106 : vector<1536x1024xi1>, vector<1536x1024xf32>
    %reduce_sum3A_108 = arith.constant dense<0.000000e+00> : vector<1536xf32>
    %reduce_sum3A_109 = vector.multi_reduction <add>, %select_n3A_107, %reduce_sum3A_108 [1] : vector<1536x1024xf32> to vector<1536xf32>
    %add3A_110 = arith.addf %add3A_89, %reduce_sum3A_109 : vector<1536xf32>
    %slice3A_111 = vector.extract_strided_slice %add3A_26 {offsets = [4, 0], sizes = [1, 1024], strides = [1, 1]} : vector<9x1024xf32> to vector<1x1024xf32>
    %slice3A_112 = vector.extract_strided_slice %convert_element_type3A_15 {offsets = [4, 0], sizes = [1, 1024], strides = [1, 1]} : vector<9x1024xf32> to vector<1x1024xf32>
    %add3A_113 = arith.constant 4.096000e+03 : f32
    %add3A_114 = vector.broadcast %add3A_113 : f32 to vector<1x1024xf32>
    %add3A_115 = arith.addf %convert_element_type3A_30, %add3A_114 : vector<1x1024xf32>
    %eq3A_116 = vector.broadcast %slice3A_111 : vector<1x1024xf32> to vector<1536x1024xf32>
    %eq3A_117 = vector.broadcast %convert_element_type3A_28 : vector<1536x1xf32> to vector<1536x1024xf32>
    %eq3A_118 = arith.cmpf oeq, %eq3A_116, %eq3A_117 : vector<1536x1024xf32>
    %gt3A_119 = arith.constant 5.000000e-01 : f32
    %gt3A_120 = vector.broadcast %gt3A_119 : f32 to vector<1x1024xf32>
    %gt3A_121 = arith.cmpf ogt, %slice3A_112, %gt3A_120 : vector<1x1024xf32>
    %and3A_122 = vector.broadcast %gt3A_121 : vector<1x1024xi1> to vector<1536x1024xi1>
    %and3A_123 = arith.andi %eq3A_118, %and3A_122 : vector<1536x1024xi1>
    %jit3A_124 = arith.constant 0.000000e+00 : f32
    %broadcast_in_dim3A_125 = vector.shape_cast %add3A_115 : vector<1x1024xf32> to vector<1x1024xf32>
    %broadcast_in_dim3A_126 = vector.broadcast %broadcast_in_dim3A_125 : vector<1x1024xf32> to vector<1536x1024xf32>
    %broadcast_in_dim3A_127 = vector.broadcast %jit3A_124 : f32 to vector<1536x1024xf32>
    %select_n3A_128 = arith.select %and3A_123, %broadcast_in_dim3A_126, %broadcast_in_dim3A_127 : vector<1536x1024xi1>, vector<1536x1024xf32>
    %reduce_sum3A_129 = arith.constant dense<0.000000e+00> : vector<1536xf32>
    %reduce_sum3A_130 = vector.multi_reduction <add>, %select_n3A_128, %reduce_sum3A_129 [1] : vector<1536x1024xf32> to vector<1536xf32>
    %add3A_131 = arith.addf %add3A_110, %reduce_sum3A_130 : vector<1536xf32>
    %slice3A_132 = vector.extract_strided_slice %add3A_26 {offsets = [5, 0], sizes = [1, 1024], strides = [1, 1]} : vector<9x1024xf32> to vector<1x1024xf32>
    %slice3A_133 = vector.extract_strided_slice %convert_element_type3A_15 {offsets = [5, 0], sizes = [1, 1024], strides = [1, 1]} : vector<9x1024xf32> to vector<1x1024xf32>
    %add3A_134 = arith.constant 5.120000e+03 : f32
    %add3A_135 = vector.broadcast %add3A_134 : f32 to vector<1x1024xf32>
    %add3A_136 = arith.addf %convert_element_type3A_30, %add3A_135 : vector<1x1024xf32>
    %eq3A_137 = vector.broadcast %slice3A_132 : vector<1x1024xf32> to vector<1536x1024xf32>
    %eq3A_138 = vector.broadcast %convert_element_type3A_28 : vector<1536x1xf32> to vector<1536x1024xf32>
    %eq3A_139 = arith.cmpf oeq, %eq3A_137, %eq3A_138 : vector<1536x1024xf32>
    %gt3A_140 = arith.constant 5.000000e-01 : f32
    %gt3A_141 = vector.broadcast %gt3A_140 : f32 to vector<1x1024xf32>
    %gt3A_142 = arith.cmpf ogt, %slice3A_133, %gt3A_141 : vector<1x1024xf32>
    %and3A_143 = vector.broadcast %gt3A_142 : vector<1x1024xi1> to vector<1536x1024xi1>
    %and3A_144 = arith.andi %eq3A_139, %and3A_143 : vector<1536x1024xi1>
    %jit3A_145 = arith.constant 0.000000e+00 : f32
    %broadcast_in_dim3A_146 = vector.shape_cast %add3A_136 : vector<1x1024xf32> to vector<1x1024xf32>
    %broadcast_in_dim3A_147 = vector.broadcast %broadcast_in_dim3A_146 : vector<1x1024xf32> to vector<1536x1024xf32>
    %broadcast_in_dim3A_148 = vector.broadcast %jit3A_145 : f32 to vector<1536x1024xf32>
    %select_n3A_149 = arith.select %and3A_144, %broadcast_in_dim3A_147, %broadcast_in_dim3A_148 : vector<1536x1024xi1>, vector<1536x1024xf32>
    %reduce_sum3A_150 = arith.constant dense<0.000000e+00> : vector<1536xf32>
    %reduce_sum3A_151 = vector.multi_reduction <add>, %select_n3A_149, %reduce_sum3A_150 [1] : vector<1536x1024xf32> to vector<1536xf32>
    %add3A_152 = arith.addf %add3A_131, %reduce_sum3A_151 : vector<1536xf32>
    %slice3A_153 = vector.extract_strided_slice %add3A_26 {offsets = [6, 0], sizes = [1, 1024], strides = [1, 1]} : vector<9x1024xf32> to vector<1x1024xf32>
    %slice3A_154 = vector.extract_strided_slice %convert_element_type3A_15 {offsets = [6, 0], sizes = [1, 1024], strides = [1, 1]} : vector<9x1024xf32> to vector<1x1024xf32>
    %add3A_155 = arith.constant 6.144000e+03 : f32
    %add3A_156 = vector.broadcast %add3A_155 : f32 to vector<1x1024xf32>
    %add3A_157 = arith.addf %convert_element_type3A_30, %add3A_156 : vector<1x1024xf32>
    %eq3A_158 = vector.broadcast %slice3A_153 : vector<1x1024xf32> to vector<1536x1024xf32>
    %eq3A_159 = vector.broadcast %convert_element_type3A_28 : vector<1536x1xf32> to vector<1536x1024xf32>
    %eq3A_160 = arith.cmpf oeq, %eq3A_158, %eq3A_159 : vector<1536x1024xf32>
    %gt3A_161 = arith.constant 5.000000e-01 : f32
    %gt3A_162 = vector.broadcast %gt3A_161 : f32 to vector<1x1024xf32>
    %gt3A_163 = arith.cmpf ogt, %slice3A_154, %gt3A_162 : vector<1x1024xf32>
    %and3A_164 = vector.broadcast %gt3A_163 : vector<1x1024xi1> to vector<1536x1024xi1>
    %and3A_165 = arith.andi %eq3A_160, %and3A_164 : vector<1536x1024xi1>
    %jit3A_166 = arith.constant 0.000000e+00 : f32
    %broadcast_in_dim3A_167 = vector.shape_cast %add3A_157 : vector<1x1024xf32> to vector<1x1024xf32>
    %broadcast_in_dim3A_168 = vector.broadcast %broadcast_in_dim3A_167 : vector<1x1024xf32> to vector<1536x1024xf32>
    %broadcast_in_dim3A_169 = vector.broadcast %jit3A_166 : f32 to vector<1536x1024xf32>
    %select_n3A_170 = arith.select %and3A_165, %broadcast_in_dim3A_168, %broadcast_in_dim3A_169 : vector<1536x1024xi1>, vector<1536x1024xf32>
    %reduce_sum3A_171 = arith.constant dense<0.000000e+00> : vector<1536xf32>
    %reduce_sum3A_172 = vector.multi_reduction <add>, %select_n3A_170, %reduce_sum3A_171 [1] : vector<1536x1024xf32> to vector<1536xf32>
    %add3A_173 = arith.addf %add3A_152, %reduce_sum3A_172 : vector<1536xf32>
    %slice3A_174 = vector.extract_strided_slice %add3A_26 {offsets = [7, 0], sizes = [1, 1024], strides = [1, 1]} : vector<9x1024xf32> to vector<1x1024xf32>
    %slice3A_175 = vector.extract_strided_slice %convert_element_type3A_15 {offsets = [7, 0], sizes = [1, 1024], strides = [1, 1]} : vector<9x1024xf32> to vector<1x1024xf32>
    %add3A_176 = arith.constant 7.168000e+03 : f32
    %add3A_177 = vector.broadcast %add3A_176 : f32 to vector<1x1024xf32>
    %add3A_178 = arith.addf %convert_element_type3A_30, %add3A_177 : vector<1x1024xf32>
    %eq3A_179 = vector.broadcast %slice3A_174 : vector<1x1024xf32> to vector<1536x1024xf32>
    %eq3A_180 = vector.broadcast %convert_element_type3A_28 : vector<1536x1xf32> to vector<1536x1024xf32>
    %eq3A_181 = arith.cmpf oeq, %eq3A_179, %eq3A_180 : vector<1536x1024xf32>
    %gt3A_182 = arith.constant 5.000000e-01 : f32
    %gt3A_183 = vector.broadcast %gt3A_182 : f32 to vector<1x1024xf32>
    %gt3A_184 = arith.cmpf ogt, %slice3A_175, %gt3A_183 : vector<1x1024xf32>
    %and3A_185 = vector.broadcast %gt3A_184 : vector<1x1024xi1> to vector<1536x1024xi1>
    %and3A_186 = arith.andi %eq3A_181, %and3A_185 : vector<1536x1024xi1>
    %jit3A_187 = arith.constant 0.000000e+00 : f32
    %broadcast_in_dim3A_188 = vector.shape_cast %add3A_178 : vector<1x1024xf32> to vector<1x1024xf32>
    %broadcast_in_dim3A_189 = vector.broadcast %broadcast_in_dim3A_188 : vector<1x1024xf32> to vector<1536x1024xf32>
    %broadcast_in_dim3A_190 = vector.broadcast %jit3A_187 : f32 to vector<1536x1024xf32>
    %select_n3A_191 = arith.select %and3A_186, %broadcast_in_dim3A_189, %broadcast_in_dim3A_190 : vector<1536x1024xi1>, vector<1536x1024xf32>
    %reduce_sum3A_192 = arith.constant dense<0.000000e+00> : vector<1536xf32>
    %reduce_sum3A_193 = vector.multi_reduction <add>, %select_n3A_191, %reduce_sum3A_192 [1] : vector<1536x1024xf32> to vector<1536xf32>
    %add3A_194 = arith.addf %add3A_173, %reduce_sum3A_193 : vector<1536xf32>
    %slice3A_195 = vector.extract_strided_slice %add3A_26 {offsets = [8, 0], sizes = [1, 1024], strides = [1, 1]} : vector<9x1024xf32> to vector<1x1024xf32>
    %slice3A_196 = vector.extract_strided_slice %convert_element_type3A_15 {offsets = [8, 0], sizes = [1, 1024], strides = [1, 1]} : vector<9x1024xf32> to vector<1x1024xf32>
    %add3A_197 = arith.constant 8.192000e+03 : f32
    %add3A_198 = vector.broadcast %add3A_197 : f32 to vector<1x1024xf32>
    %add3A_199 = arith.addf %convert_element_type3A_30, %add3A_198 : vector<1x1024xf32>
    %eq3A_200 = vector.broadcast %slice3A_195 : vector<1x1024xf32> to vector<1536x1024xf32>
    %eq3A_201 = vector.broadcast %convert_element_type3A_28 : vector<1536x1xf32> to vector<1536x1024xf32>
    %eq3A_202 = arith.cmpf oeq, %eq3A_200, %eq3A_201 : vector<1536x1024xf32>
    %gt3A_203 = arith.constant 5.000000e-01 : f32
    %gt3A_204 = vector.broadcast %gt3A_203 : f32 to vector<1x1024xf32>
    %gt3A_205 = arith.cmpf ogt, %slice3A_196, %gt3A_204 : vector<1x1024xf32>
    %and3A_206 = vector.broadcast %gt3A_205 : vector<1x1024xi1> to vector<1536x1024xi1>
    %and3A_207 = arith.andi %eq3A_202, %and3A_206 : vector<1536x1024xi1>
    %jit3A_208 = arith.constant 0.000000e+00 : f32
    %broadcast_in_dim3A_209 = vector.shape_cast %add3A_199 : vector<1x1024xf32> to vector<1x1024xf32>
    %broadcast_in_dim3A_210 = vector.broadcast %broadcast_in_dim3A_209 : vector<1x1024xf32> to vector<1536x1024xf32>
    %broadcast_in_dim3A_211 = vector.broadcast %jit3A_208 : f32 to vector<1536x1024xf32>
    %select_n3A_212 = arith.select %and3A_207, %broadcast_in_dim3A_210, %broadcast_in_dim3A_211 : vector<1536x1024xi1>, vector<1536x1024xf32>
    %reduce_sum3A_213 = arith.constant dense<0.000000e+00> : vector<1536xf32>
    %reduce_sum3A_214 = vector.multi_reduction <add>, %select_n3A_212, %reduce_sum3A_213 [1] : vector<1536x1024xf32> to vector<1536xf32>
    %add3A_215 = arith.addf %add3A_194, %reduce_sum3A_214 : vector<1536xf32>
    %squeeze3A = vector.shape_cast %iota3A_27 : vector<1536x1xi32> to vector<1536xi32>
    %ge3A_216 = arith.constant 1 : i32
    %ge3A_217 = vector.broadcast %ge3A_216 : i32 to vector<1536xi32>
    %ge3A_218 = arith.cmpi sge, %squeeze3A, %ge3A_217 : vector<1536xi32>
    %squeeze3A_219 = vector.shape_cast %iota3A_27 : vector<1536x1xi32> to vector<1536xi32>
    %le3A_220 = arith.constant 1228 : i32
    %le3A_221 = vector.broadcast %le3A_220 : i32 to vector<1536xi32>
    %le3A_222 = arith.cmpi sle, %squeeze3A_219, %le3A_221 : vector<1536xi32>
    %and3A_223 = arith.andi %ge3A_218, %le3A_222 : vector<1536xi1>
    %convert_element_type3A_224 = arith.fptosi %add3A_215 : vector<1536xf32> to vector<1536xi32>
    %jit3A_225 = arith.constant 8192 : i32
    %broadcast_in_dim3A_226 = vector.broadcast %jit3A_225 : i32 to vector<1536xi32>
    %select_n3A_227 = arith.select %and3A_223, %convert_element_type3A_224, %broadcast_in_dim3A_226 : vector<1536xi1>, vector<1536xi32>
    %swap3A = arith.constant 0 : index
    %swap3A_228 = arith.constant 0 : index
    %swap3A_229 = vector.load %arg2[%swap3A, %swap3A_228] : memref<1x1536xi32, #tpu.memory_space<vmem>>, vector<1x1536xi32>
    %swap3A_230 = vector.shape_cast %swap3A_229 : vector<1x1536xi32> to vector<1536xi32>
    %swap3A_231 = vector.shape_cast %select_n3A_227 : vector<1536xi32> to vector<1x1536xi32>
    tpu.vector_store %arg2[%swap3A, %swap3A_228], %swap3A_231 {strides = array<i32>} : memref<1x1536xi32, #tpu.memory_space<vmem>>, vector<1x1536xi32>,
    return
  }
}

module attributes {stable_mosaic.version = 14 : i64} {
  func.func @_stage_d(%arg0: memref<1536x512xf32, #tpu.memory_space<vmem>>, %arg1: memref<3x256x256xf32, #tpu.memory_space<vmem>>, %arg2: memref<1x256xf32, #tpu.memory_space<vmem>>, %arg3: memref<1280x256xf32, #tpu.memory_space<vmem>>) attributes {dimension_semantics = [], scalar_prefetch = 0 : i64, scratch_operands = 0 : i64, tpu.core_type = #tpu.core_type<tc>} {
    %get3A = arith.constant 0 : index
    %get3A_0 = arith.constant 0 : index
    %get3A_1 = vector.load %arg0[%get3A, %get3A_0] : memref<1536x512xf32, #tpu.memory_space<vmem>>, vector<1280x256xf32>
    %get3A_2 = arith.constant 1 : index
    %get3A_3 = arith.constant 0 : index
    %get3A_4 = vector.load %arg0[%get3A_2, %get3A_3] : memref<1536x512xf32, #tpu.memory_space<vmem>>, vector<1280x512xf32>
    %get3A_5 = arith.constant 2 : index
    %get3A_6 = arith.constant 0 : index
    %get3A_7 = vector.load %arg0[%get3A_5, %get3A_6] : memref<1536x512xf32, #tpu.memory_space<vmem>>, vector<1280x256xf32>
    %get3A_8 = arith.constant 0 : index
    %get3A_9 = arith.constant 0 : index
    %get3A_10 = arith.constant 0 : index
    %get3A_11 = vector.load %arg1[%get3A_8, %get3A_9, %get3A_10] : memref<3x256x256xf32, #tpu.memory_space<vmem>>, vector<1x256x256xf32>
    %get3A_12 = vector.shape_cast %get3A_11 : vector<1x256x256xf32> to vector<256x256xf32>
    %dot_general3A = arith.constant dense<0.000000e+00> : vector<1280x256xf32>
    %dot_general3A_13 = tpu.matmul %get3A_1, %get3A_12, %dot_general3A {dimension_numbers = #tpu.dot_dimension_numbers<[1], [1], [0], [0], [0, 0, 1, 0], [], []>, transpose_lhs_hint = false} : vector<1280x256xf32>, vector<256x256xf32>, vector<1280x256xf32> -> vector<1280x256xf32>
    %slice3A = vector.extract_strided_slice %get3A_4 {offsets = [0, 0], sizes = [1280, 256], strides = [1, 1]} : vector<1280x512xf32> to vector<1280x256xf32>
    %get3A_14 = arith.constant 1 : index
    %get3A_15 = arith.constant 0 : index
    %get3A_16 = arith.constant 0 : index
    %get3A_17 = vector.load %arg1[%get3A_14, %get3A_15, %get3A_16] : memref<3x256x256xf32, #tpu.memory_space<vmem>>, vector<1x256x256xf32>
    %get3A_18 = vector.shape_cast %get3A_17 : vector<1x256x256xf32> to vector<256x256xf32>
    %dot_general3A_19 = arith.constant dense<0.000000e+00> : vector<1280x256xf32>
    %dot_general3A_20 = tpu.matmul %slice3A, %get3A_18, %dot_general3A_19 {dimension_numbers = #tpu.dot_dimension_numbers<[1], [1], [0], [0], [0, 0, 1, 0], [], []>, transpose_lhs_hint = false} : vector<1280x256xf32>, vector<256x256xf32>, vector<1280x256xf32> -> vector<1280x256xf32>
    %add3A = arith.addf %dot_general3A_13, %dot_general3A_20 : vector<1280x256xf32>
    %get3A_21 = arith.constant 2 : index
    %get3A_22 = arith.constant 0 : index
    %get3A_23 = arith.constant 0 : index
    %get3A_24 = vector.load %arg1[%get3A_21, %get3A_22, %get3A_23] : memref<3x256x256xf32, #tpu.memory_space<vmem>>, vector<1x256x256xf32>
    %get3A_25 = vector.shape_cast %get3A_24 : vector<1x256x256xf32> to vector<256x256xf32>
    %dot_general3A_26 = arith.constant dense<0.000000e+00> : vector<1280x256xf32>
    %dot_general3A_27 = tpu.matmul %get3A_7, %get3A_25, %dot_general3A_26 {dimension_numbers = #tpu.dot_dimension_numbers<[1], [1], [0], [0], [0, 0, 1, 0], [], []>, transpose_lhs_hint = false} : vector<1280x256xf32>, vector<256x256xf32>, vector<1280x256xf32> -> vector<1280x256xf32>
    %add3A_28 = arith.addf %add3A, %dot_general3A_27 : vector<1280x256xf32>
    %get3A_29 = arith.constant 0 : index
    %get3A_30 = arith.constant 0 : index
    %get3A_31 = vector.load %arg2[%get3A_29, %get3A_30] : memref<1x256xf32, #tpu.memory_space<vmem>>, vector<1x256xf32>
    %add3A_32 = vector.broadcast %get3A_31 : vector<1x256xf32> to vector<1280x256xf32>
    %add3A_33 = arith.addf %add3A_28, %add3A_32 : vector<1280x256xf32>
    %slice3A_34 = vector.extract_strided_slice %get3A_4 {offsets = [0, 256], sizes = [1280, 256], strides = [1, 1]} : vector<1280x512xf32> to vector<1280x256xf32>
    %add3A_35 = arith.addf %add3A_33, %slice3A_34 : vector<1280x256xf32>
    %swap3A = arith.constant 0 : index
    %swap3A_36 = arith.constant 0 : index
    %swap3A_37 = vector.load %arg3[%swap3A, %swap3A_36] : memref<1280x256xf32, #tpu.memory_space<vmem>>, vector<1280x256xf32>
    tpu.vector_store %arg3[%swap3A, %swap3A_36], %add3A_35 {strides = array<i32>} : memref<1280x256xf32, #tpu.memory_space<vmem>>, vector<1280x256xf32>,
    return
  }
}

</mosaic_0001>

<sc_bundles>
// kernel: kernel.6.cloned.1.call-start
scs
__scs_entry_jumppad:
0x0: {  	(pc) =	sbr.rel $0x88, $3  }
0x1: {  	(tag) =	ssettag $0x0;
	lr =	simm.s32 $0x1  }
0x2: {  	[smem:$0x3F9A] =	sst lr;
	_ =	strace $0xD0000000  }
0x3: {  	_ = 	snop  }
0x4: {  	_ = 	snop  }
0x5: {  	_ = 	snop  }
0x6: {  	_ = 	snop  }
0x7: {  	_ = 	snop  }
__scs_overlays_trampoline_lowered:
0x8: {  	[smem:$0x3FA9] =	sst s0  }
0x9: {  	[smem:$0x3FAA] =	sst s1  }
0xa: {  	[smem:$0x3FAB] =	sst s2  }
0xb: {  	[smem:$0x3FAC] =	sst s3  }
0xc: {  	[smem:$0x3FAD] =	sst s4  }
0xd: {  	[smem:$0x3FAE] =	sst s5  }
0xe: {  	[smem:$0x3FAF] =	sst s6  }
0xf: {  	[smem:$0x3FB0] =	sst s7  }
0x10: {  	[smem:$0x3FB1] =	sst s8  }
0x11: {  	[smem:$0x3FB2] =	sst s9;
	s0 =	simm.s32 @!p0 $0x0  }
0x12: {  	s1 =	sld [smem:$0x3F98];
	s0 =	simm.s32 @p0 $0x1  }
0x13: {  	[smem:$0x3FB3] =	sst s0;
	s0 =	simm.s32 @!p1 $0x0  }
0x14: {  	s2 =	sld [smem:$0x3F97];
	s0 =	simm.s32 @p1 $0x1  }
0x15: {  	[smem:$0x3FB4] =	sst s0;
	s0 =	simm.s32 @!p2 $0x0  }
0x16: {  	s3 =	sld [smem:$0x3FDB];
	s0 =	simm.s32 @p2 $0x1  }
0x17: {  	s4 =	simm.s32 $0x1BF5;
	[smem:$0x3FB6] =	sst s0  }
0x18: {  	s0 =	sld [smem:$0x3F99];
	_ =	swait.ge [sflag:s4], $0x0  }
0x19: {  	s7 =	sld [smem:$0x3F9A]  }
0x1a: {  	s8 =	sadd.s32 $0xFFFFE003, lr  }
0x1b: {  	s9 =	sadd.s32 $0xFFFFFEF7, lr;
	s5 =	simm.s32 $0xFFFFFFFF;
	p2 =	slt.u32 s8, $0xFFFFF086  }
0x1c: {  	p1 =	slt.u32 s9, $0xF7A;
	s5 =	simm.s32 @!p2 $0x0  }
0x1d: {  	s5 =	simm.s32 @p1 $0x1;
	p0 =	seq.s32 s7, s2  }
0x1e: {  	s7 =	smul.u32 @!p0 $0xF7A, s2;
	p2 =	seq.s32 @!p0 s5, $0x0  }
0x1f: {  	s9 =	smul.u32 $0xF7A, s1;
	s8 =	simm.s32 @!p0 $0x1BF5;
	p2 =	por !p2, p0  }
0x20: {  	[sflag:s8] =	ssyncset.s32 @!p0 $0xFFFFF086;
	s6 =	sadd.s32 @!p0 s3, s7;
	s7 =	simm.s32 @!p0 $0x108  }
0x21: {  	s3 =	sadd.s32 s3, s9;
	s6 =	sadd.s32 @!p0 $0x88, s6;
	s7 =	simm.s32 @p2 $0x1082  }
0x22: {  	[simem:s7], [sflag:s8] =	dma.local @!p0 [hbm:s6], $0xF7A  }
0x23: {  	s9 =	sor.u32 $0xD0000000, s2;
	s6 =	simm.s32 $0x108;
	_ =	swait.ge @!p0 [sflag:s8], $0x0  }
0x24: {  	s3 =	sadd.s32 $0x88, s3;
	s6 =	simm.s32 @!p1 $0x1082;
	[sflag:s4] =	ssyncset.s32 $0xFFFFF086  }
0x25: {  	[simem:s6], [sflag:s4] =	dma.local [hbm:s3], $0xF7A  }
0x26: {  	[smem:$0x3F9A] =	sst s1;
	(tag) =	ssettag s2;
	_ =	strace s9  }
0x27: {  	s1 =	sld [smem:$0x3FAA]  }
0x28: {  	s2 =	sld [smem:$0x3FAB]  }
0x29: {  	s4 =	sld [smem:$0x3FAD]  }
0x2a: {  	p0 =	seq.s32 s5, $0x0;
	s5 =	sld [smem:$0x3FAE]  }
0x2b: {  	s6 =	sld [smem:$0x3FAF]  }
0x2c: {  	s7 =	sld [smem:$0x3FB0]  }
0x2d: {  	s3 =	simm.s32 $0x108;
	s8 =	sld [smem:$0x3FB1]  }
0x2e: {  	s3 =	simm.s32 @!p0 $0x1082;
	s9 =	sld [smem:$0x3FB2]  }
0x2f: {  	lr =	sadd.s32 s0, s3;
	s0 =	sld [smem:$0x3FA9]  }
0x30: {  	s3 =	sld [smem:$0x3FAC]  }
0x31: {  	[smem:$0x3FB5] =	sst s10  }
0x32: {  	s10 =	sld [smem:$0x3FB3];
	_ =	sdelay $0x3  }
0x33: {  	p0 =	seq.s32 s10, $0x1;
	s10 =	sld [smem:$0x3FB5];
	_ =	sdelay $0x3  }
0x34: {  	[smem:$0x3FB5] =	sst s10  }
0x35: {  	s10 =	sld [smem:$0x3FB4];
	_ =	sdelay $0x3  }
0x36: {  	p1 =	seq.s32 s10, $0x1;
	s10 =	sld [smem:$0x3FB5];
	_ =	sdelay $0x3  }
0x37: {  	[smem:$0x3FB5] =	sst s10  }
0x38: {  	s10 =	sld [smem:$0x3FB6]  }
0x39: {  	_ = 	snop;
	(pc) =	sbr.ind lr, $3  }
0x3a: {  	_ = 	snop  }
0x3b: {  	_ = 	snop  }
0x3c: {  	p2 =	seq.s32 s10, $0x1;
	s10 =	sld [smem:$0x3FB5]  }
0x3d: {  	_ =	shalt  }
0x3e: {  	_ =	shalt  }
0x3f: {  	_ =	shalt  }
0x40: {  	_ =	shalt  }
0x41: {  	_ =	shalt  }
0x42: {  	_ =	shalt  }
0x43: {  	_ =	shalt  }
0x44: {  	_ =	shalt  }
0x45: {  	_ =	shalt  }
0x46: {  	_ =	shalt  }
0x47: {  	_ =	shalt  }
0x48: {  	_ =	shalt  }
0x49: {  	_ =	shalt  }
0x4a: {  	_ =	shalt  }
0x4b: {  	_ =	shalt  }
0x4c: {  	_ =	shalt  }
0x4d: {  	_ =	shalt  }
0x4e: {  	_ =	shalt  }
0x4f: {  	_ =	shalt  }
0x50: {  	_ =	shalt  }
0x51: {  	_ =	shalt  }
0x52: {  	_ =	shalt  }
0x53: {  	_ =	shalt  }
0x54: {  	_ =	shalt  }
0x55: {  	_ =	shalt  }
0x56: {  	_ =	shalt  }
0x57: {  	_ =	shalt  }
0x58: {  	_ =	shalt  }
0x59: {  	_ =	shalt  }
0x5a: {  	_ =	shalt  }
0x5b: {  	_ =	shalt  }
0x5c: {  	_ =	shalt  }
0x5d: {  	_ =	shalt  }
0x5e: {  	_ =	shalt  }
0x5f: {  	_ =	shalt  }
0x60: {  	_ =	shalt  }
0x61: {  	_ =	shalt  }
0x62: {  	_ =	shalt  }
0x63: {  	_ =	shalt  }
0x64: {  	_ =	shalt  }
0x65: {  	_ =	shalt  }
0x66: {  	_ =	shalt  }
0x67: {  	_ =	shalt  }
0x68: {  	_ =	shalt  }
0x69: {  	_ =	shalt  }
0x6a: {  	_ =	shalt  }
0x6b: {  	_ =	shalt  }
0x6c: {  	_ =	shalt  }
0x6d: {  	_ =	shalt  }
0x6e: {  	_ =	shalt  }
0x6f: {  	_ =	shalt  }
0x70: {  	_ =	shalt  }
0x71: {  	_ =	shalt  }
0x72: {  	_ =	shalt  }
0x73: {  	_ =	shalt  }
0x74: {  	_ =	shalt  }
0x75: {  	_ =	shalt  }
0x76: {  	_ =	shalt  }
0x77: {  	_ =	shalt  }
0x78: {  	_ =	shalt  }
0x79: {  	_ =	shalt  }
0x7a: {  	_ =	shalt  }
0x7b: {  	_ =	shalt  }
0x7c: {  	_ =	shalt  }
0x7d: {  	_ =	shalt  }
0x7e: {  	_ =	shalt  }
0x7f: {  	_ =	shalt  }
0x80: {  	_ =	shalt  }
0x81: {  	_ =	shalt  }
0x82: {  	_ =	shalt  }
0x83: {  	_ =	shalt  }
0x84: {  	_ =	shalt  }
0x85: {  	_ =	shalt  }
0x86: {  	_ =	shalt  }
0x87: {  	_ =	shalt  }
.Lfunc_end0:
.L_simem_size_0:
called_computation_lowered:
.L_overlay_start_0:
0x88: {  	s2 =	sld [smem:$0x3FD9]  }
0x89: {  	s3 =	sld [smem:$0x3FFE];
	_ =	sdelay $0x1  }
0x8a: {  	s1 =	srdreg.scid  }
0x8b: {  	s0 =	sand.u32 $0x1, s1  }
0x8c: {  	s14 =	sshll.u32 s0, $0xA;
	s2 =	sadd.s32 s3, s2  }
0x8d: {  	s2 =	sadd.s32 s2, s14  }
0x8e: {  	[smem:$0x3FC1] =	sst s2  }
0x8f: {  	_ = 	snop  }
0x90: {  	s2 =	sld [smem:$0x3FD0];
	_ =	sdelay $0x2  }
0x91: {  	s15 =	simm.s32 $0xA;
	s4 =	simm.s32 $0x10  }
0x92: {  	[smem:s4], [sflag:s15] =	dma.local [hbm:s2], $0x1  }
0x93: {  	_ =	swait.eq [sflag:s15], $0x1  }
0x94: {  	[sflag:s15] =	ssyncset.done $0x0  }
0x95: {  	[sflag:s15] =	ssyncadd.s32 $0xFFFFFFFF  }
0x96: {  	s16 =	sld [smem:$0x10];
	(tm) =	ssettm $0x1  }
0x97: {  	s17 =	sld [smem:$0x3FFB];
	_ =	sdelay $0x3  }
0x98: {  	_ =	strace s17  }
0x99: {  	s3 =	sld [smem:$0x3FFC];
	_ =	sdelay $0x3  }
0x9a: {  	_ =	strace s3  }
0x9b: {  	s3 =	sld [smem:$0x3FFD];
	_ =	sdelay $0x3  }
0x9c: {  	_ =	strace s3  }
0x9d: {  	_ =	strace $0x8FFFFFFF  }
0x9e: {  	s18 =	sld [smem:$0x3FDB];
	_ =	sdelay $0x1  }
0x9f: {  	s19 =	simm.s32 $_scs_section_size  }
0xa0: {  	s5 =	simm.s32 $_size__tile_overlayer_lowered;
	s6 =	simm.s32 $_tile_overlayer_lowered  }
0xa1: {  	s22 =	simm.s32 $0x1BFF;
	s21 =	sshll.u32 s6, $0x1;
	s3 =	sadd.s32 s19, s18  }
0xa2: {  	s7 =	simm.s32 $0x0;
	s20 =	sshll.u32 s5, $0x1;
	s5 =	sadd.s32 s21, s3  }
0xa3: {  	[timem:s7], [sflag:s22] =	dma.local [hbm:s5], s20  }
0xa4: {  	_ =	swait.ge [sflag:s22], s20  }
0xa5: {  	s4 =	ssub.s32 $0x0, s20;
	[sflag:s22] =	ssyncset.done $0x0  }
0xa6: {  	[sflag:s22] =	ssyncadd.s32 s4;
	_ =	sdelay $0x1  }
0xa7: {  	s23 =	simm.s32 $0x1B8B  }
0xa8: {  	_ =	swait.ge [sflag:s23], $0x1  }
0xa9: {  	[sflag:s23] =	ssyncset.done $0x0  }
0xaa: {  	s25 =	simm.s32 $0x1B8E;
	s24 =	sld [smem:$0x3FFE];
	[sflag:s23] =	ssyncadd.s32 $0xFFFFFFFF  }
0xab: {  	s26 =	simm.s32 $execute0_lowered;
	[smem:$0x3FD2] =	sst s25  }
0xac: {  	s5 =	sshll.u32 s26, $0x1;
	_ =	strace $0x80000046;
	[dreg:$0x1] =	wrdreg $0xFFFFFFFF  }
0xad: {  	s28 =	simm.s32 $_size_execute0_lowered;
	s3 =	sadd.s32 s3, s5;
	[dreg:$0x0] =	wrdreg $0x0  }
0xae: {  	s5 =	sshll.u32 s28, $0x1;
	[dreg:$0x2] =	wrdreg s3  }
0xaf: {  	[dreg:$0x3] =	wrdreg s5  }
0xb0: {  	[dreg:$0x4] =	wrdreg $0xC0  }
0xb1: {  	_ =	task [dreg:s7], $0x5FFFF  }
0xb2: {  	[dreg:$0x1] =	wrdreg $0xFFFFFFFF  }
0xb3: {  	[dreg:$0x0] =	wrdreg $0x60  }
0xb4: {  	[dreg:$0x2] =	wrdreg s24  }
0xb5: {  	[dreg:$0x3] =	wrdreg s16  }
0xb6: {  	[dreg:$0x4] =	wrdreg $0x9  }
0xb7: {  	_ =	task.clear_ibuf [dreg:s7], $0x5FFFF;
	_ =	strace $0x90000046  }
0xb8: {  	s29 =	simm.s32 $0x9;
	_ =	strace $0x80000048  }
0xb9: {  	_ =	swait.ge [sflag:s29], $0x1  }
0xba: {  	[sflag:s29] =	ssyncadd.s32 $0xFFFFFFFF  }
0xbb: {  	_ =	strace $0x90000048  }
0xbc: {  	_ =	sfence  }
0xbd: {  	s30 =	sld [smem:$0x0];
	_ =	sdelay $0x2  }
0xbe: {  	s31 =	sshll.u32 s1, $0xD;
	s1 =	sshrl.u32 s1, $0x2  }
0xbf: {  	s3 =	sand.u32 $0x4000, s31;
	s1 =	sadd.s32 s1, s30  }
0xc0: {  	s0 =	sor.u32 s3, s0;
	s1 =	sshll.u32 s1, $0x11  }
0xc1: {  	s0 =	sor.u32 s1, s0  }
0xc2: {  	s0 =	sadd.s32 $0x8F2B, s0  }
0xc3: {  	[sflag:s0] =	ssyncadd.remote.s32 $0x1  }
0xc4: {  	_ =	sfence.sel $0xFFFF  }
0xc5: {  	[dreg:$0x0] =	wrdreg $0xFFFFFFFF;
	(pc) =	sbr.abs _section_cstart, $3  }
0xc6: {  	[dreg:$0x1] =	wrdreg $0xFFFFFFFF  }
0xc7: {  	_ =	task.clear_ibuf [dreg:s7], $0x2FFFF;
	_ =	strace $0x9FFFFFFF  }
0xc8: {  	(tm) =	ssettm $0x7FFFFFFF  }
0xc9: {  	_ =	shalt  }
tec
execute0_lowered:
.L_overlay_start_1:
0x0: {  	(tag) =	ssettag $0x1  }
0x1: {  	s5 =	rddreg [dreg:$0x0]  }
0x2: {  	s1 =	srdreg.scid;
	s0 =	stileid.u32  }
0x3: {  	s4 =	rddreg [dreg:$0x1];
	s2 =	simm.s32 $0x0;
	s10 =	simm.s32 $0x880  }
0x4: {  	s11 =	simm.s32 $0x1080;
	s12 =	simm.s32 $0x1880;
	s13 =	simm.s32 $0x2080  }
0x5: {  	s14 =	simm.s32 $0x2880;
	s15 =	simm.s32 $0x3080;
	s16 =	simm.s32 $0x3880  }
0x6: {  	s17 =	simm.s32 $0x4080;
	s18 =	simm.s32 $0x4880;
	s19 =	simm.s32 $0x5080  }
0x7: {  	s20 =	simm.s32 $0x5880;
	s3 =	sand.u32 $0x1, s1;
	s6 =	sshll.u32 s0, $0x1  }
0x8: {  	s21 =	simm.s32 $0x1;
	s1 =	rddreg [dreg:$0x2];
	s6 =	sor.u32 s3, s6  }
0x9: {  	[smem:$0x7FF] =	sst s2;
	s8 =	ssub.s32 $0x2, s3;
	s7 =	smul.u32 $0xC00, s6  }
0xa: {  	_ =	strace $0x80000047;
	s9 =	sshrl.u32 s8, $0x1;
	s6 =	smul.u32 $0x6, s6  }
0xb: {  	v2 =	vlaneseq.u32;
	s3 =	sadd.s32 $0x1000, s5;
	s8 =	ssub.s32 s8, s9;
	s9 =	simm.s32 $0x80  }
0xc: {  	vm0 =	vmmov $0xffff;
	v1 =	vshrl.u32 v2, $0x3;
	s7 =	sadd.s32 s7, s5;
	s4 =	sadd.s32 s4, s6;
	s5 =	sadd.s32 $0x1100, s5  }
0xd: {  	v0 =	vand.u32 $0x7, v2;
	v2 =	vor.u32 $0x8, v2;
	v1 =	vmul.u32 $0x8, v1;
	s6 =	sadd.s32 $0x91000, s7;
	s7 =	smax.u32 s8, $0x1;
	s8 =	simm.s32 $0x2  }
.LBB2_1:
0xe: {  	[tilespmem:s2], [sflag:$0x2] =	stream.linear.gather [hbm4b:s4+s2], $0x30, $0x38;
	[tilespmem:$0x6080] =	vst v63  }
0xf: {  	_ =	swait.ge [sflag:s8], $0x30  }
0x10: {  	[sflag:s8] =	ssyncset.done $0x0  }
0x11: {  	[sflag:s8] =	ssyncadd.s32 $0xFFFFFFD0  }
0x12: {  	v3 =	vld [tilespmem:$0x0];
	_ =	sdelay $0x4  }
0x13: {  	v4 =	vshll.u32 v3, $0x2  }
0x14: {  	v3 =	vand.u32 $0x7, v3;
	v4 =	vand.u32 $0xFFFFFFE0, v4  }
0x15: {  	v3 =	vor.u32 v3, v4  }
0x16: {  	v4 =	vperm.xlane v3, v0;
	_ =	sdelay $0x1  }
0x17: {  	v4 =	vadd.s32 v1, v4;
	_ =	sdelay $0x1  }
0x18: {  	v3 =	vperm.xlane v3, v2;
	_ =	sdelay $0x1  }
0x19: {  	v3 =	vadd.s32 v1, v3  }
0x1a: {  	[tilespmem:s9], [sflag:$0x1] =	stream.indirect_vreg.gather [hbm4b:s3+s2], $0x80, v4, vm0, $0xb8;
	[tilespmem:$0x6080] =	vst v63  }
0x1b: {  	_ = 	snop  }
0x1c: {  	[tilespmem:s10], [sflag:$0x1] =	stream.indirect_vreg.gather [hbm4b:s5+s2], $0x80, v4, vm0, $0xb8;
	[tilespmem:$0x6080] =	vst v63  }
0x1d: {  	_ = 	snop  }
0x1e: {  	[tilespmem:s11], [sflag:$0x1] =	stream.indirect_vreg.gather [hbm4b:s3+s2], $0x80, v3, vm0, $0xb8;
	[tilespmem:$0x6080] =	vst v63  }
0x1f: {  	_ = 	snop  }
0x20: {  	[tilespmem:s12], [sflag:$0x1] =	stream.indirect_vreg.gather [hbm4b:s5+s2], $0x80, v3, vm0, $0xb8;
	[tilespmem:$0x6080] =	vst v63  }
0x21: {  	v3 =	vld [tilespmem:$0x10];
	_ =	sdelay $0x4  }
0x22: {  	v62 =	vshll.u32 v3, $0x2  }
0x23: {  	v3 =	vand.u32 $0x7, v3;
	v4 =	vand.u32 $0xFFFFFFE0, v62  }
0x24: {  	v3 =	vor.u32 v3, v4  }
0x25: {  	v4 =	vperm.xlane v3, v0;
	_ =	sdelay $0x1  }
0x26: {  	v4 =	vadd.s32 v1, v4;
	_ =	sdelay $0x1  }
0x27: {  	v3 =	vperm.xlane v3, v2;
	_ =	sdelay $0x1  }
0x28: {  	v3 =	vadd.s32 v1, v3  }
0x29: {  	[tilespmem:s13], [sflag:$0x1] =	stream.indirect_vreg.gather [hbm4b:s3+s2], $0x80, v4, vm0, $0xb8;
	[tilespmem:$0x6080] =	vst v63  }
0x2a: {  	_ = 	snop  }
0x2b: {  	[tilespmem:s14], [sflag:$0x1] =	stream.indirect_vreg.gather [hbm4b:s5+s2], $0x80, v4, vm0, $0xb8;
	[tilespmem:$0x6080] =	vst v63  }
0x2c: {  	_ = 	snop  }
0x2d: {  	[tilespmem:s15], [sflag:$0x1] =	stream.indirect_vreg.gather [hbm4b:s3+s2], $0x80, v3, vm0, $0xb8;
	[tilespmem:$0x6080] =	vst v63  }
0x2e: {  	_ = 	snop  }
0x2f: {  	[tilespmem:s16], [sflag:$0x1] =	stream.indirect_vreg.gather [hbm4b:s5+s2], $0x80, v3, vm0, $0xb8;
	[tilespmem:$0x6080] =	vst v63  }
0x30: {  	v3 =	vld [tilespmem:$0x20];
	_ =	sdelay $0x4  }
0x31: {  	v63 =	vshll.u32 v3, $0x2  }
0x32: {  	v3 =	vand.u32 $0x7, v3;
	v4 =	vand.u32 $0xFFFFFFE0, v63  }
0x33: {  	v3 =	vor.u32 v3, v4  }
0x34: {  	v4 =	vperm.xlane v3, v0;
	_ =	sdelay $0x1  }
0x35: {  	v4 =	vadd.s32 v1, v4;
	_ =	sdelay $0x1  }
0x36: {  	v3 =	vperm.xlane v3, v2;
	_ =	sdelay $0x1  }
0x37: {  	v3 =	vadd.s32 v1, v3  }
0x38: {  	[tilespmem:s17], [sflag:$0x1] =	stream.indirect_vreg.gather [hbm4b:s3+s2], $0x80, v4, vm0, $0xb8;
	[tilespmem:$0x6080] =	vst v63  }
0x39: {  	_ = 	snop  }
0x3a: {  	[tilespmem:s18], [sflag:$0x1] =	stream.indirect_vreg.gather [hbm4b:s5+s2], $0x80, v4, vm0, $0xb8;
	[tilespmem:$0x6080] =	vst v63  }
0x3b: {  	_ = 	snop  }
0x3c: {  	[tilespmem:s19], [sflag:$0x1] =	stream.indirect_vreg.gather [hbm4b:s3+s2], $0x80, v3, vm0, $0xb8;
	[tilespmem:$0x6080] =	vst v63  }
0x3d: {  	_ = 	snop  }
0x3e: {  	[tilespmem:s20], [sflag:$0x1] =	stream.indirect_vreg.gather [hbm4b:s5+s2], $0x80, v3, vm0, $0xb8;
	[tilespmem:$0x6080] =	vst v63  }
0x3f: {  	_ =	swait.ge [sflag:s21], $0x6000  }
0x40: {  	p0 =	sne.s32 s7, $0x1;
	[sflag:s21] =	ssyncset.done $0x0  }
.Ltmp0:
0x41: {  	[sflag:s21] =	ssyncadd.s32 $0xFFFFA000;
	(pc) =	sbr.rel @p0 .LBB2_1-.Ltmp0, $4  }
0x42: {  	[hbm4b:s6+s2] =	stream.linear.scatter [tilespmem:s9], [sflag:$0x2], $0x6000, $0x38;
	[tilespmem:$0x6080] =	vst v63  }
0x43: {  	_ =	swait.ge [sflag:s8], $0x6000  }
0x44: {  	[sflag:s8] =	ssyncset.done $0x0  }
0x45: {  	s7 =	sadd.s32 $0xFFFFFFFF, s7;
	[sflag:s8] =	ssyncadd.s32 $0xFFFFA000  }
0x46: {  	_ =	sfence.sel $0x180000  }
0x47: {  	[bflag:$0x0] =	sbarrier.arrive $0xFFFF  }
0x48: {  	p0 =	sne.s32 s0, $0x0;
	_ =	strace $0x90000047  }
0x49: {  	s0 =	sadd.s32 @!p0 $0x100000, s1;
	[bflag:$0x2] =	sbarrier.arrive $0xFFFF  }
0x4a: {  	[sflag:s0] =	ssyncadd.tile.s32 @!p0 $0x1;
	_ =	shalt  }
.Lfunc_end2:
_tile_overlayer_lowered:
.L_overlay_start_2:
0x4b: {  	(tag) =	ssettag $0x2  }
0x4c: {  	s0 =	rddreg [dreg:$0x0];
	s2 =	stileid.u32  }
0x4d: {  	s1 =	rddreg [dreg:$0x1];
	p0 =	sne.s32 s2, $0x0  }
0x4e: {  	s3 =	rddreg [dreg:$0x2];
	[bflag:$0x3] =	sbarrier.arrive $0xFFFF;
	s2 =	simm.s32 @!p0 $0x1C02  }
0x4f: {  	[timem:s3], [sflag:s2] =	dma.local @!p0 [hbm:s0], s1  }
0x50: {  	s0 =	simm.s32 @!p0 $0x2  }
0x51: {  	_ =	swait.ge @!p0 [sflag:s0], s1  }
0x52: {  	s1 =	ssub.s32 @!p0 $0x0, s1;
	[sflag:s0] =	ssyncset.done @!p0 $0x0  }
0x53: {  	[sflag:s0] =	ssyncadd.s32 @!p0 s1  }
0x54: {  	[bflag:$0x3] =	sbarrier.arrive $0xFFFF  }
0x55: {  	_ =	shalt  }

</sc_bundles>
